<compile_context>
chip_gen: v7x
topology: tpu7x:2x2x1
jax: 0.10.2.dev20260603
libtpu: 0.0.44.dev20260713+nightly
codegen_flags: <defaults>
</compile_context>

<pallas_src>
import functools

import jax
import jax.numpy as jnp
from jax import lax
from jax.experimental import pallas as pl
from jax.experimental.pallas import tpu as pltpu
from jax.experimental.pallas import tpu_sc as plsc

_D = 128
_NCLS = 3
_K = 2048
_NB = 4
_EPS = 1e-5
_BN = 2048


def _mlp_block(feat_ref, idx_ref, w12t_ref, gam_ref, bet_ref, mu_ref, var_ref,
               w2ct_ref, b2c_ref, w2ot_ref, b2o_ref, masked_ref, payload_ref):
    x = feat_ref[...]
    h = jnp.dot(x, w12t_ref[...], preferred_element_type=jnp.float32)
    h = gam_ref[...] * (h - mu_ref[...]) / jnp.sqrt(var_ref[...] + _EPS) + bet_ref[...]
    h = jnp.maximum(h, 0.0)
    hc = h[:, :_D]
    ho = h[:, _D:]
    s8 = jnp.dot(hc, w2ct_ref[...], preferred_element_type=jnp.float32) + b2c_ref[...]
    o8 = jnp.dot(ho, w2ot_ref[...], preferred_element_type=jnp.float32) + b2o_ref[...]
    off = o8[:, :2] * 16.0 / 8.0
    lim = jnp.clip(jnp.ceil(off), -3.0, 3.0)
    bidx = idx_ref[:, 0:1]
    bf = bidx.astype(jnp.float32)
    votes12 = idx_ref[:, 1:3].astype(jnp.float32) + lim
    p3 = jax.nn.sigmoid(s8[:, :3])
    p12 = jnp.concatenate([p3, p3, p3, p3], axis=1)
    r = lax.broadcasted_iota(jnp.int32, (1, 12), 1) // 3
    masked12 = jnp.where(bidx == r, p12, -jnp.inf)
    neg4 = jnp.full((x.shape[0], 4), -jnp.inf, jnp.float32)
    masked_ref[...] = jnp.concatenate([masked12, neg4], axis=1).T
    zeros10 = jnp.zeros((x.shape[0], 10), jnp.float32)
    payload_ref[...] = jnp.concatenate([s8[:, :3], bf, votes12, zeros10], axis=1)


def _sc_gather(features, payload, idx):
    n, d = features.shape
    dp = payload.shape[1]
    b = idx.shape[0]
    info = plsc.get_sparse_core_info()
    nw = info.num_cores * info.num_subcores
    bw = b // nw
    mesh = plsc.VectorSubcoreMesh(core_axis_name="c", subcore_axis_name="s")

    @functools.partial(
        pl.kernel, mesh=mesh,
        compiler_params=pltpu.CompilerParams(use_tc_tiling_on_sc=False),
        out_type=[jax.ShapeDtypeStruct((b, d), jnp.float32),
                  jax.ShapeDtypeStruct((b, dp), jnp.float32)],
        scratch_types=[
            pltpu.VMEM((bw,), jnp.int32),
            pltpu.VMEM((bw, d), jnp.float32),
            pltpu.VMEM((bw, dp), jnp.float32),
            pltpu.SemaphoreType.DMA,
            pltpu.SemaphoreType.DMA,
        ],
    )
    def gk(feat_hbm, pay_hbm, idx_hbm, of_hbm, op_hbm,
           idx_v, rows_v, prow_v, sem1, sem2):
        wid = lax.axis_index("s") * info.num_cores + lax.axis_index("c")
        base = wid * bw
        pltpu.sync_copy(idx_hbm.at[pl.ds(base, bw)], idx_v)
        c1 = pltpu.async_copy(feat_hbm.at[idx_v], rows_v, sem1)
        c2 = pltpu.async_copy(pay_hbm.at[idx_v], prow_v, sem2)
        c1.wait()
        c2.wait()
        pltpu.sync_copy(rows_v, of_hbm.at[pl.ds(base, bw)])
        pltpu.sync_copy(prow_v, op_hbm.at[pl.ds(base, bw)])

    return gk(features, payload, idx)


def kernel(features, indices, W1c, gamma_c, beta_c, mean_c, var_c, W2c, b2c,
           W1o, gamma_o, beta_o, mean_o, var_o, W2o, b2o):
    n = features.shape[0]
    nb = n // _BN
    idxp = jnp.pad(indices, ((0, 0), (0, 1)))
    w12t = jnp.concatenate([W1c.T, W1o.T], axis=1)
    gam = jnp.concatenate([gamma_c, gamma_o]).reshape(1, 2 * _D)
    bet = jnp.concatenate([beta_c, beta_o]).reshape(1, 2 * _D)
    mu = jnp.concatenate([mean_c, mean_o]).reshape(1, 2 * _D)
    var = jnp.concatenate([var_c, var_o]).reshape(1, 2 * _D)
    w2ct = jnp.zeros((_D, 8), jnp.float32).at[:, :3].set(W2c.T)
    b2cp = jnp.zeros((1, 8), jnp.float32).at[0, :3].set(b2c)
    w2ot = jnp.zeros((_D, 8), jnp.float32).at[:, :2].set(W2o.T)
    b2op = jnp.zeros((1, 8), jnp.float32).at[0, :2].set(b2o)

    rep = lambda shape: pl.BlockSpec(shape, lambda i: (0, 0))
    masked, payload = pl.pallas_call(
        _mlp_block,
        grid=(nb,),
        in_specs=[
            pl.BlockSpec((_BN, _D), lambda i: (i, 0)),
            pl.BlockSpec((_BN, 4), lambda i: (i, 0)),
            rep((_D, 2 * _D)), rep((1, 2 * _D)), rep((1, 2 * _D)),
            rep((1, 2 * _D)), rep((1, 2 * _D)),
            rep((_D, 8)), rep((1, 8)), rep((_D, 8)), rep((1, 8)),
        ],
        out_specs=[pl.BlockSpec((16, _BN), lambda i: (0, i)),
                   pl.BlockSpec((_BN, 16), lambda i: (i, 0))],
        out_shape=[jax.ShapeDtypeStruct((16, n), jnp.float32),
                   jax.ShapeDtypeStruct((n, 16), jnp.float32)],
        compiler_params=pltpu.CompilerParams(
            dimension_semantics=("arbitrary",)),
    )(features, idxp, w12t, gam, bet, mu, var, w2ct, b2cp, w2ot, b2op)

    tk = lax.top_k(masked[:_NB * _NCLS], _K)[1]
    tkflat = tk.reshape(_NB, _NCLS, _K).transpose(0, 2, 1).reshape(-1)
    gf, gp = _sc_gather(features, payload, tkflat)
    votes = gp[:, 3:6].reshape(_NB, _K, _NCLS, 3)
    scores = gp[:, 0:3].reshape(_NB, _K, _NCLS, 3)
    feats = gf.reshape(_NB, _K, _NCLS, _D)
    return votes, feats, scores

# --- scband reference (transcript-rebuilt; emitter-appended) ---
"""Pipeline reference for scband-vote-attention-neck-35502199669119 (READ-ONLY COPY).

The authoritative reference and input builder live on the scoring server;
editing this copy changes nothing except your own understanding.
"""

import jax, jax.numpy as jnp
import numpy as np

D_FEAT = 128
NUM_CLASS = 3
MAX_SAMPLE = 2048
STRIDE = 8.0
QUERY_RANGE = (3.0, 3.0)
BATCH_SIZE = 4
N_PILLARS = 262144
EPS = 1e-5


def setup_inputs(seed: int = 0) -> dict:
    key = jax.random.key(seed)
    ks = jax.random.split(key, 10)
    features = jax.random.normal(ks[0], (N_PILLARS, D_FEAT), dtype=jnp.float32)
    indices = jax.random.randint(ks[1], (N_PILLARS, 3), 0, 4).astype(jnp.int32)
    W1c = jax.random.normal(ks[2], (D_FEAT, D_FEAT), dtype=jnp.float32) * 0.05
    gamma_c = jnp.ones((D_FEAT,), jnp.float32)
    beta_c = jnp.zeros((D_FEAT,), jnp.float32)
    mean_c = jnp.zeros((D_FEAT,), jnp.float32)
    var_c = jnp.ones((D_FEAT,), jnp.float32)
    W2c = jax.random.normal(ks[3], (NUM_CLASS, D_FEAT), dtype=jnp.float32) * 0.05
    b2c = jnp.zeros((NUM_CLASS,), jnp.float32)
    W1o = jax.random.normal(ks[4], (D_FEAT, D_FEAT), dtype=jnp.float32) * 0.05
    gamma_o = jnp.ones((D_FEAT,), jnp.float32)
    beta_o = jnp.zeros((D_FEAT,), jnp.float32)
    mean_o = jnp.zeros((D_FEAT,), jnp.float32)
    var_o = jnp.ones((D_FEAT,), jnp.float32)
    W2o = jax.random.normal(ks[5], (2, D_FEAT), dtype=jnp.float32) * 0.05
    b2o = jnp.zeros((2,), jnp.float32)
    return {"features": features, "indices": indices, "W1c": W1c, "gamma_c": gamma_c, "beta_c": beta_c, "mean_c": mean_c, "var_c": var_c, "W2c": W2c, "b2c": b2c, "W1o": W1o, "gamma_o": gamma_o, "beta_o": beta_o, "mean_o": mean_o, "var_o": var_o, "W2o": W2o, "b2o": b2o}


def _mlp(x, W1, gamma, beta, mean, var, W2, b2):
    # Linear(bias=False) -> BatchNorm1d (eval stats) -> ReLU -> Linear
    h = x @ W1.T
    h = gamma * (h - mean) / jnp.sqrt(var + EPS) + beta
    h = jax.nn.relu(h)
    return h @ W2.T + b2


def _vote_layer(feat, idx, W1c, gamma_c, beta_c, mean_c, var_c, W2c, b2c, W1o, gamma_o, beta_o, mean_o, var_o, W2o, b2o):
    score = _mlp(feat, W1c, gamma_c, beta_c, mean_c, var_c, W2c, b2c)
    offset = _mlp(feat, W1o, gamma_o, beta_o, mean_o, var_o, W2o, b2o) * 16.0 / STRIDE
    offset_ceil = jnp.ceil(offset)
    limited = jnp.stack([jnp.clip(offset_ceil[..., a], -QUERY_RANGE[a], QUERY_RANGE[a]) for a in range(2)], axis=-1)
    votes = idx[:, 1:].astype(jnp.float32) + limited
    votes = jnp.concatenate([idx[:, 0:1].astype(jnp.float32), votes], axis=-1)
    return votes, score, offset


def reference(features, indices, W1c, gamma_c, beta_c, mean_c, var_c, W2c, b2c, W1o, gamma_o, beta_o, mean_o, var_o, W2o, b2o):
    votes, score, offset = _vote_layer(features, indices, W1c, gamma_c, beta_c, mean_c, var_c, W2c, b2c, W1o, gamma_o, beta_o, mean_o, var_o, W2o, b2o)
    probs = jax.nn.sigmoid(score)
    all_votes, all_feats, all_scores = [], [], []
    for bs_idx in range(BATCH_SIZE):
        mask = indices[:, 0] == bs_idx
        masked_probs = jnp.where(mask[:, None], probs, -jnp.inf)
        # torch.topk(probs, k, dim=0) -> indices shape [k, num_class]
        _, topk_idx = jax.lax.top_k(masked_probs.T, MAX_SAMPLE)
        topk_idx = topk_idx.T
        all_votes.append(votes[topk_idx])
        all_feats.append(features[topk_idx])
        all_scores.append(score[topk_idx])
    return (jnp.stack(all_votes), jnp.stack(all_feats), jnp.stack(all_scores))

if __name__ == "__main__":
    import jax
    _d = setup_inputs()
    print(jax.jit(kernel)(*tuple(_d.values())))

</pallas_src>

<mosaic_0001>
#map = affine_map<(d0, d1) -> (0, 0)>
#map1 = affine_map<(d0, d1) -> (0)>
module attributes {stable_mosaic.version = 14 : i64} {
  func.func @gk(%arg0: i32, %arg1: i32, %arg2: memref<262144x128xf32, #tpu.memory_space<hbm>>, %arg3: memref<262144x16xf32, #tpu.memory_space<hbm>>, %arg4: memref<24576xi32, #tpu.memory_space<hbm>>, %arg5: memref<24576x128xf32, #tpu.memory_space<hbm>>, %arg6: memref<24576x16xf32, #tpu.memory_space<hbm>>, %arg7: memref<768xi32, #tpu.memory_space<vmem>>, %arg8: memref<768x128xf32, #tpu.memory_space<vmem>>, %arg9: memref<768x16xf32, #tpu.memory_space<vmem>>, %arg10: memref<!tpu.dma_semaphore, #tpu.memory_space<semaphore_mem>>, %arg11: memref<!tpu.dma_semaphore, #tpu.memory_space<semaphore_mem>>) attributes {dimension_semantics = [#tpu.dimension_semantics<core_parallel>, #tpu.dimension_semantics<subcore_parallel>], iteration_bounds = array<i64: 2, 16>, scalar_prefetch = 0 : i64, scratch_operands = 5 : i64, tpu.core_type = #tpu.core_type<sc_vector_subcore>, window_params = [{transform_indices = #map}, {transform_indices = #map}, {transform_indices = #map1}, {transform_indices = #map}, {transform_indices = #map}]} {
    %mul3A = arith.constant 2 : i32
    %mul3A_0 = arith.muli %arg1, %mul3A : i32
    %add3A = arith.addi %mul3A_0, %arg0 : i32
    %mul3A_1 = arith.constant 768 : i32
    %mul3A_2 = arith.muli %add3A, %mul3A_1 : i32
    "tpu.region"() ({
      %run_scoped3A = tpu.sem_alloc : memref<!tpu.dma_semaphore, #tpu.memory_space<semaphore_mem>>
      %dma_start3A_13 = tpu.memref_slice %arg4[%mul3A_2] : memref<24576xi32, #tpu.memory_space<hbm>> -> memref<768xi32, #tpu.memory_space<hbm>>
      %dma_start3A_14 = tpu.memref_slice %arg4[%mul3A_2] : memref<24576xi32, #tpu.memory_space<hbm>> -> memref<768xi32, #tpu.memory_space<hbm>>
      tpu.enqueue_dma source(%dma_start3A_14 : memref<768xi32, #tpu.memory_space<hbm>>) target(%arg7 : memref<768xi32, #tpu.memory_space<vmem>>) target_semaphore(%run_scoped3A : memref<!tpu.dma_semaphore, #tpu.memory_space<semaphore_mem>>)
      %dma_wait3A_15 = tpu.memref_slice %arg4[%mul3A_2] : memref<24576xi32, #tpu.memory_space<hbm>> -> memref<768xi32, #tpu.memory_space<hbm>>
      %dma_wait3A_16 = tpu.memref_slice %arg4[%mul3A_2] : memref<24576xi32, #tpu.memory_space<hbm>> -> memref<768xi32, #tpu.memory_space<hbm>>
      tpu.wait_dma2 semaphore(%run_scoped3A : memref<!tpu.dma_semaphore, #tpu.memory_space<semaphore_mem>>) src(%dma_wait3A_16 : memref<768xi32, #tpu.memory_space<hbm>>) dst(%arg7 : memref<768xi32, #tpu.memory_space<vmem>>)
      tpu.yield
    }) : () -> ()
    %dma_start3A = arith.constant 0 : i32
    %dma_start3A_3 = arith.constant 0 : i32
    %dma_start3A_4 = tpu.memref_slice %arg2[%dma_start3A, %dma_start3A_3] : memref<262144x128xf32, #tpu.memory_space<hbm>> -> memref<262144x128xf32, #tpu.memory_space<hbm>>
    tpu.enqueue_indirect_dma source(%dma_start3A_4 : memref<262144x128xf32, #tpu.memory_space<hbm>>) target(%arg8 : memref<768x128xf32, #tpu.memory_space<vmem>>) offsets(%arg7 : memref<768xi32, #tpu.memory_space<vmem>>) semaphore(%arg10 : memref<!tpu.dma_semaphore, #tpu.memory_space<semaphore_mem>>)
    %dma_start3A_5 = arith.constant 0 : i32
    %dma_start3A_6 = arith.constant 0 : i32
    %dma_start3A_7 = tpu.memref_slice %arg3[%dma_start3A_5, %dma_start3A_6] : memref<262144x16xf32, #tpu.memory_space<hbm>> -> memref<262144x16xf32, #tpu.memory_space<hbm>>
    tpu.enqueue_indirect_dma source(%dma_start3A_7 : memref<262144x16xf32, #tpu.memory_space<hbm>>) target(%arg9 : memref<768x16xf32, #tpu.memory_space<vmem>>) offsets(%arg7 : memref<768xi32, #tpu.memory_space<vmem>>) semaphore(%arg11 : memref<!tpu.dma_semaphore, #tpu.memory_space<semaphore_mem>>)
    %dma_wait3A = arith.constant 0 : i32
    %dma_wait3A_8 = arith.constant 0 : i32
    %dma_wait3A_9 = tpu.memref_slice %arg2[%dma_wait3A, %dma_wait3A_8] : memref<262144x128xf32, #tpu.memory_space<hbm>> -> memref<262144x128xf32, #tpu.memory_space<hbm>>
    tpu.wait_indirect_dma semaphore(%arg10 : memref<!tpu.dma_semaphore, #tpu.memory_space<semaphore_mem>>) src(%dma_wait3A_9 : memref<262144x128xf32, #tpu.memory_space<hbm>>) dst(%arg8 : memref<768x128xf32, #tpu.memory_space<vmem>>)
    %dma_wait3A_10 = arith.constant 0 : i32
    %dma_wait3A_11 = arith.constant 0 : i32
    %dma_wait3A_12 = tpu.memref_slice %arg3[%dma_wait3A_10, %dma_wait3A_11] : memref<262144x16xf32, #tpu.memory_space<hbm>> -> memref<262144x16xf32, #tpu.memory_space<hbm>>
    tpu.wait_indirect_dma semaphore(%arg11 : memref<!tpu.dma_semaphore, #tpu.memory_space<semaphore_mem>>) src(%dma_wait3A_12 : memref<262144x16xf32, #tpu.memory_space<hbm>>) dst(%arg9 : memref<768x16xf32, #tpu.memory_space<vmem>>)
    "tpu.region"() ({
      %run_scoped3A = tpu.sem_alloc : memref<!tpu.dma_semaphore, #tpu.memory_space<semaphore_mem>>
      %dma_start3A_13 = arith.constant 0 : i32
      %dma_start3A_14 = tpu.memref_slice %arg5[%mul3A_2, %dma_start3A_13] : memref<24576x128xf32, #tpu.memory_space<hbm>> -> memref<768x128xf32, #tpu.memory_space<hbm>>
      %dma_start3A_15 = arith.constant 0 : i32
      %dma_start3A_16 = tpu.memref_slice %arg5[%mul3A_2, %dma_start3A_15] : memref<24576x128xf32, #tpu.memory_space<hbm>> -> memref<768x128xf32, #tpu.memory_space<hbm>>
      tpu.enqueue_dma source(%arg8 : memref<768x128xf32, #tpu.memory_space<vmem>>) target(%dma_start3A_16 : memref<768x128xf32, #tpu.memory_space<hbm>>) target_semaphore(%run_scoped3A : memref<!tpu.dma_semaphore, #tpu.memory_space<semaphore_mem>>)
      %dma_wait3A_17 = arith.constant 0 : i32
      %dma_wait3A_18 = tpu.memref_slice %arg5[%mul3A_2, %dma_wait3A_17] : memref<24576x128xf32, #tpu.memory_space<hbm>> -> memref<768x128xf32, #tpu.memory_space<hbm>>
      %dma_wait3A_19 = arith.constant 0 : i32
      %dma_wait3A_20 = tpu.memref_slice %arg5[%mul3A_2, %dma_wait3A_19] : memref<24576x128xf32, #tpu.memory_space<hbm>> -> memref<768x128xf32, #tpu.memory_space<hbm>>
      tpu.wait_dma2 semaphore(%run_scoped3A : memref<!tpu.dma_semaphore, #tpu.memory_space<semaphore_mem>>) src(%arg8 : memref<768x128xf32, #tpu.memory_space<vmem>>) dst(%dma_wait3A_20 : memref<768x128xf32, #tpu.memory_space<hbm>>)
      tpu.yield
    }) : () -> ()
    "tpu.region"() ({
      %run_scoped3A = tpu.sem_alloc : memref<!tpu.dma_semaphore, #tpu.memory_space<semaphore_mem>>
      %dma_start3A_13 = arith.constant 0 : i32
      %dma_start3A_14 = tpu.memref_slice %arg6[%mul3A_2, %dma_start3A_13] : memref<24576x16xf32, #tpu.memory_space<hbm>> -> memref<768x16xf32, #tpu.memory_space<hbm>>
      %dma_start3A_15 = arith.constant 0 : i32
      %dma_start3A_16 = tpu.memref_slice %arg6[%mul3A_2, %dma_start3A_15] : memref<24576x16xf32, #tpu.memory_space<hbm>> -> memref<768x16xf32, #tpu.memory_space<hbm>>
      tpu.enqueue_dma source(%arg9 : memref<768x16xf32, #tpu.memory_space<vmem>>) target(%dma_start3A_16 : memref<768x16xf32, #tpu.memory_space<hbm>>) target_semaphore(%run_scoped3A : memref<!tpu.dma_semaphore, #tpu.memory_space<semaphore_mem>>)
      %dma_wait3A_17 = arith.constant 0 : i32
      %dma_wait3A_18 = tpu.memref_slice %arg6[%mul3A_2, %dma_wait3A_17] : memref<24576x16xf32, #tpu.memory_space<hbm>> -> memref<768x16xf32, #tpu.memory_space<hbm>>
      %dma_wait3A_19 = arith.constant 0 : i32
      %dma_wait3A_20 = tpu.memref_slice %arg6[%mul3A_2, %dma_wait3A_19] : memref<24576x16xf32, #tpu.memory_space<hbm>> -> memref<768x16xf32, #tpu.memory_space<hbm>>
      tpu.wait_dma2 semaphore(%run_scoped3A : memref<!tpu.dma_semaphore, #tpu.memory_space<semaphore_mem>>) src(%arg9 : memref<768x16xf32, #tpu.memory_space<vmem>>) dst(%dma_wait3A_20 : memref<768x16xf32, #tpu.memory_space<hbm>>)
      tpu.yield
    }) : () -> ()
    return
  }
}

module attributes {stable_mosaic.version = 14 : i64} {
  func.func @_mlp_block(%arg0: i32, %arg1: memref<2048x128xf32, #tpu.memory_space<vmem>>, %arg2: memref<2048x4xi32, #tpu.memory_space<vmem>>, %arg3: memref<128x256xf32, #tpu.memory_space<vmem>>, %arg4: memref<1x256xf32, #tpu.memory_space<vmem>>, %arg5: memref<1x256xf32, #tpu.memory_space<vmem>>, %arg6: memref<1x256xf32, #tpu.memory_space<vmem>>, %arg7: memref<1x256xf32, #tpu.memory_space<vmem>>, %arg8: memref<128x8xf32, #tpu.memory_space<vmem>>, %arg9: memref<1x8xf32, #tpu.memory_space<vmem>>, %arg10: memref<128x8xf32, #tpu.memory_space<vmem>>, %arg11: memref<1x8xf32, #tpu.memory_space<vmem>>, %arg12: memref<16x2048xf32, #tpu.memory_space<vmem>>, %arg13: memref<2048x16xf32, #tpu.memory_space<vmem>>) attributes {dimension_semantics = [#tpu.dimension_semantics<arbitrary>], iteration_bounds = array<i64: 128>, scalar_prefetch = 0 : i64, scratch_operands = 0 : i64, tpu.core_type = #tpu.core_type<tc>, window_params = [{transform_indices = @transform_0, window_bounds = array<i64: 2048, 128>}, {transform_indices = @transform_1, window_bounds = array<i64: 2048, 4>}, {pipeline_mode = #tpu.pipeline_mode<synchronous>, transform_indices = @transform_2, window_bounds = array<i64: 128, 256>}, {pipeline_mode = #tpu.pipeline_mode<synchronous>, transform_indices = @transform_3, window_bounds = array<i64: 1, 256>}, {pipeline_mode = #tpu.pipeline_mode<synchronous>, transform_indices = @transform_4, window_bounds = array<i64: 1, 256>}, {pipeline_mode = #tpu.pipeline_mode<synchronous>, transform_indices = @transform_5, window_bounds = array<i64: 1, 256>}, {pipeline_mode = #tpu.pipeline_mode<synchronous>, transform_indices = @transform_6, window_bounds = array<i64: 1, 256>}, {pipeline_mode = #tpu.pipeline_mode<synchronous>, transform_indices = @transform_7, window_bounds = array<i64: 128, 8>}, {pipeline_mode = #tpu.pipeline_mode<synchronous>, transform_indices = @transform_8, window_bounds = array<i64: 1, 8>}, {pipeline_mode = #tpu.pipeline_mode<synchronous>, transform_indices = @transform_9, window_bounds = array<i64: 128, 8>}, {pipeline_mode = #tpu.pipeline_mode<synchronous>, transform_indices = @transform_10, window_bounds = array<i64: 1, 8>}, {transform_indices = @transform_11, window_bounds = array<i64: 16, 2048>}, {transform_indices = @transform_12, window_bounds = array<i64: 2048, 16>}]} {
    %get3A = arith.constant 0 : index
    %get3A_0 = arith.constant 0 : index
    %get3A_1 = vector.load %arg1[%get3A, %get3A_0] : memref<2048x128xf32, #tpu.memory_space<vmem>>, vector<2048x128xf32>
    %get3A_2 = arith.constant 0 : index
    %get3A_3 = arith.constant 0 : index
    %get3A_4 = vector.load %arg3[%get3A_2, %get3A_3] : memref<128x256xf32, #tpu.memory_space<vmem>>, vector<128x256xf32>
    %dot_general3A = arith.constant dense<0.000000e+00> : vector<2048x256xf32>
    %dot_general3A_5 = tpu.matmul %get3A_1, %get3A_4, %dot_general3A {dimension_numbers = #tpu.dot_dimension_numbers<[1], [0], [0], [1], [0, 0, 1, 1], [], []>, transpose_lhs_hint = false} : vector<2048x128xf32>, vector<128x256xf32>, vector<2048x256xf32> -> vector<2048x256xf32>
    %get3A_6 = arith.constant 0 : index
    %get3A_7 = arith.constant 0 : index
    %get3A_8 = vector.load %arg4[%get3A_6, %get3A_7] : memref<1x256xf32, #tpu.memory_space<vmem>>, vector<1x256xf32>
    %get3A_9 = arith.constant 0 : index
    %get3A_10 = arith.constant 0 : index
    %get3A_11 = vector.load %arg6[%get3A_9, %get3A_10] : memref<1x256xf32, #tpu.memory_space<vmem>>, vector<1x256xf32>
    %sub3A = vector.broadcast %get3A_11 : vector<1x256xf32> to vector<2048x256xf32>
    %sub3A_12 = arith.subf %dot_general3A_5, %sub3A : vector<2048x256xf32>
    %mul3A = vector.broadcast %get3A_8 : vector<1x256xf32> to vector<2048x256xf32>
    %mul3A_13 = arith.mulf %mul3A, %sub3A_12 : vector<2048x256xf32>
    %get3A_14 = arith.constant 0 : index
    %get3A_15 = arith.constant 0 : index
    %get3A_16 = vector.load %arg7[%get3A_14, %get3A_15] : memref<1x256xf32, #tpu.memory_space<vmem>>, vector<1x256xf32>
    %add3A = arith.constant 9.99999974E-6 : f32
    %add3A_17 = vector.broadcast %add3A : f32 to vector<1x256xf32>
    %add3A_18 = arith.addf %get3A_16, %add3A_17 : vector<1x256xf32>
    %sqrt3A = math.sqrt %add3A_18 : vector<1x256xf32>
    %div3A = vector.broadcast %sqrt3A : vector<1x256xf32> to vector<2048x256xf32>
    %div3A_19 = arith.divf %mul3A_13, %div3A : vector<2048x256xf32>
    %get3A_20 = arith.constant 0 : index
    %get3A_21 = arith.constant 0 : index
    %get3A_22 = vector.load %arg5[%get3A_20, %get3A_21] : memref<1x256xf32, #tpu.memory_space<vmem>>, vector<1x256xf32>
    %add3A_23 = vector.broadcast %get3A_22 : vector<1x256xf32> to vector<2048x256xf32>
    %add3A_24 = arith.addf %div3A_19, %add3A_23 : vector<2048x256xf32>
    %max3A = arith.constant 0.000000e+00 : f32
    %max3A_25 = vector.broadcast %max3A : f32 to vector<2048x256xf32>
    %max3A_26 = arith.maximumf %add3A_24, %max3A_25 : vector<2048x256xf32>
    %slice3A = vector.extract_strided_slice %max3A_26 {offsets = [0, 0], sizes = [2048, 128], strides = [1, 1]} : vector<2048x256xf32> to vector<2048x128xf32>
    %slice3A_27 = vector.extract_strided_slice %max3A_26 {offsets = [0, 128], sizes = [2048, 128], strides = [1, 1]} : vector<2048x256xf32> to vector<2048x128xf32>
    %get3A_28 = arith.constant 0 : index
    %get3A_29 = arith.constant 0 : index
    %get3A_30 = vector.load %arg8[%get3A_28, %get3A_29] : memref<128x8xf32, #tpu.memory_space<vmem>>, vector<128x8xf32>
    %dot_general3A_31 = arith.constant dense<0.000000e+00> : vector<2048x8xf32>
    %dot_general3A_32 = tpu.matmul %slice3A, %get3A_30, %dot_general3A_31 {dimension_numbers = #tpu.dot_dimension_numbers<[1], [0], [0], [1], [0, 0, 1, 1], [], []>, transpose_lhs_hint = false} : vector<2048x128xf32>, vector<128x8xf32>, vector<2048x8xf32> -> vector<2048x8xf32>
    %get3A_33 = arith.constant 0 : index
    %get3A_34 = arith.constant 0 : index
    %get3A_35 = vector.load %arg9[%get3A_33, %get3A_34] : memref<1x8xf32, #tpu.memory_space<vmem>>, vector<1x8xf32>
    %add3A_36 = vector.broadcast %get3A_35 : vector<1x8xf32> to vector<2048x8xf32>
    %add3A_37 = arith.addf %dot_general3A_32, %add3A_36 : vector<2048x8xf32>
    %get3A_38 = arith.constant 0 : index
    %get3A_39 = arith.constant 0 : index
    %get3A_40 = vector.load %arg10[%get3A_38, %get3A_39] : memref<128x8xf32, #tpu.memory_space<vmem>>, vector<128x8xf32>
    %dot_general3A_41 = arith.constant dense<0.000000e+00> : vector<2048x8xf32>
    %dot_general3A_42 = tpu.matmul %slice3A_27, %get3A_40, %dot_general3A_41 {dimension_numbers = #tpu.dot_dimension_numbers<[1], [0], [0], [1], [0, 0, 1, 1], [], []>, transpose_lhs_hint = false} : vector<2048x128xf32>, vector<128x8xf32>, vector<2048x8xf32> -> vector<2048x8xf32>
    %get3A_43 = arith.constant 0 : index
    %get3A_44 = arith.constant 0 : index
    %get3A_45 = vector.load %arg11[%get3A_43, %get3A_44] : memref<1x8xf32, #tpu.memory_space<vmem>>, vector<1x8xf32>
    %add3A_46 = vector.broadcast %get3A_45 : vector<1x8xf32> to vector<2048x8xf32>
    %add3A_47 = arith.addf %dot_general3A_42, %add3A_46 : vector<2048x8xf32>
    %slice3A_48 = vector.extract_strided_slice %add3A_47 {offsets = [0, 0], sizes = [2048, 2], strides = [1, 1]} : vector<2048x8xf32> to vector<2048x2xf32>
    %mul3A_49 = arith.constant 1.600000e+01 : f32
    %mul3A_50 = vector.broadcast %mul3A_49 : f32 to vector<2048x2xf32>
    %mul3A_51 = arith.mulf %slice3A_48, %mul3A_50 : vector<2048x2xf32>
    %div3A_52 = arith.constant 8.000000e+00 : f32
    %div3A_53 = vector.broadcast %div3A_52 : f32 to vector<2048x2xf32>
    %div3A_54 = arith.divf %mul3A_51, %div3A_53 : vector<2048x2xf32>
    %ceil3A = math.ceil %div3A_54 : vector<2048x2xf32>
    %jit3A = arith.constant -3.000000e+00 : f32
    %jit3A_55 = arith.constant 3.000000e+00 : f32
    %max3A_56 = vector.broadcast %jit3A : f32 to vector<2048x2xf32>
    %max3A_57 = arith.maximumf %max3A_56, %ceil3A : vector<2048x2xf32>
    %min3A = vector.broadcast %jit3A_55 : f32 to vector<2048x2xf32>
    %min3A_58 = arith.minimumf %min3A, %max3A_57 : vector<2048x2xf32>
    %get3A_59 = arith.constant 0 : index
    %get3A_60 = arith.constant 0 : index
    %get3A_61 = vector.load %arg2[%get3A_59, %get3A_60] : memref<2048x4xi32, #tpu.memory_space<vmem>>, vector<2048x1xi32>
    %convert_element_type3A = arith.sitofp %get3A_61 : vector<2048x1xi32> to vector<2048x1xf32>
    %get3A_62 = arith.constant 0 : index
    %get3A_63 = arith.constant 1 : index
    %get3A_64 = vector.load %arg2[%get3A_62, %get3A_63] : memref<2048x4xi32, #tpu.memory_space<vmem>>, vector<2048x2xi32>
    %convert_element_type3A_65 = arith.sitofp %get3A_64 : vector<2048x2xi32> to vector<2048x2xf32>
    %add3A_66 = arith.addf %convert_element_type3A_65, %min3A_58 : vector<2048x2xf32>
    %slice3A_67 = vector.extract_strided_slice %add3A_37 {offsets = [0, 0], sizes = [2048, 3], strides = [1, 1]} : vector<2048x8xf32> to vector<2048x3xf32>
    %logistic3A = arith.negf %slice3A_67 : vector<2048x3xf32>
    %logistic3A_68 = math.exp %logistic3A : vector<2048x3xf32>
    %logistic3A_69 = arith.constant 1.000000e+00 : f32
    %logistic3A_70 = vector.broadcast %logistic3A_69 : f32 to vector<2048x3xf32>
    %logistic3A_71 = arith.addf %logistic3A_70, %logistic3A_68 : vector<2048x3xf32>
    %logistic3A_72 = arith.divf %logistic3A_70, %logistic3A_71 : vector<2048x3xf32>
    %concatenate3A = tpu.concatenate %logistic3A_72, %logistic3A_72, %logistic3A_72, %logistic3A_72 in 1 : vector<2048x3xf32>, vector<2048x3xf32>, vector<2048x3xf32>, vector<2048x3xf32> -> vector<2048x12xf32>
    %iota3A = tpu.iota {dimensions = array<i32: 1>} : vector<1x12xi32>
    %jit3A_73 = arith.constant 3 : i32
    %div3A_74 = vector.broadcast %jit3A_73 : i32 to vector<1x12xi32>
    %div3A_75 = arith.divsi %iota3A, %div3A_74 : vector<1x12xi32>
    %sign3A = arith.constant 0 : i32
    %sign3A_76 = vector.broadcast %sign3A : i32 to vector<1x12xi32>
    %sign3A_77 = arith.cmpi sgt, %iota3A, %sign3A_76 : vector<1x12xi32>
    %sign3A_78 = arith.extui %sign3A_77 : vector<1x12xi1> to vector<1x12xi32>
    %sign3A_79 = arith.constant 0 : i32
    %sign3A_80 = vector.broadcast %sign3A_79 : i32 to vector<1x12xi32>
    %sign3A_81 = arith.cmpi slt, %iota3A, %sign3A_80 : vector<1x12xi32>
    %sign3A_82 = arith.extui %sign3A_81 : vector<1x12xi1> to vector<1x12xi32>
    %sign3A_83 = arith.subi %sign3A_78, %sign3A_82 : vector<1x12xi32>
    %sign3A_84 = arith.constant 0 : i32
    %sign3A_85 = arith.cmpi sgt, %jit3A_73, %sign3A_84 : i32
    %sign3A_86 = arith.extui %sign3A_85 : i1 to i32
    %sign3A_87 = arith.constant 0 : i32
    %sign3A_88 = arith.cmpi slt, %jit3A_73, %sign3A_87 : i32
    %sign3A_89 = arith.extui %sign3A_88 : i1 to i32
    %sign3A_90 = arith.subi %sign3A_86, %sign3A_89 : i32
    %ne3A = vector.broadcast %sign3A_90 : i32 to vector<1x12xi32>
    %ne3A_91 = arith.cmpi ne, %sign3A_83, %ne3A : vector<1x12xi32>
    %rem3A = vector.broadcast %jit3A_73 : i32 to vector<1x12xi32>
    %rem3A_92 = arith.remsi %iota3A, %rem3A : vector<1x12xi32>
    %ne3A_93 = arith.constant 0 : i32
    %ne3A_94 = vector.broadcast %ne3A_93 : i32 to vector<1x12xi32>
    %ne3A_95 = arith.cmpi ne, %rem3A_92, %ne3A_94 : vector<1x12xi32>
    %and3A = arith.andi %ne3A_91, %ne3A_95 : vector<1x12xi1>
    %sub3A_96 = arith.constant 1 : i32
    %sub3A_97 = vector.broadcast %sub3A_96 : i32 to vector<1x12xi32>
    %sub3A_98 = arith.subi %div3A_75, %sub3A_97 : vector<1x12xi32>
    %select_n3A = arith.select %and3A, %sub3A_98, %div3A_75 : vector<1x12xi1>, vector<1x12xi32>
    %eq3A = vector.broadcast %get3A_61 : vector<2048x1xi32> to vector<2048x12xi32>
    %eq3A_99 = vector.broadcast %select_n3A : vector<1x12xi32> to vector<2048x12xi32>
    %eq3A_100 = arith.cmpi eq, %eq3A, %eq3A_99 : vector<2048x12xi32>
    %jit3A_101 = arith.constant 0xFF800000 : f32
    %broadcast_in_dim3A = vector.broadcast %jit3A_101 : f32 to vector<2048x12xf32>
    %select_n3A_102 = arith.select %eq3A_100, %concatenate3A, %broadcast_in_dim3A : vector<2048x12xi1>, vector<2048x12xf32>
    %broadcast_in_dim3A_103 = arith.constant 0xFF800000 : f32
    %broadcast_in_dim3A_104 = vector.broadcast %broadcast_in_dim3A_103 : f32 to vector<2048x4xf32>
    %concatenate3A_105 = tpu.concatenate %select_n3A_102, %broadcast_in_dim3A_104 in 1 : vector<2048x12xf32>, vector<2048x4xf32> -> vector<2048x16xf32>
    %transpose3A = tpu.transpose %concatenate3A_105, [1, 0] : vector<2048x16xf32> -> vector<16x2048xf32>
    %swap3A = arith.constant 0 : index
    %swap3A_106 = arith.constant 0 : index
    %swap3A_107 = vector.load %arg12[%swap3A, %swap3A_106] : memref<16x2048xf32, #tpu.memory_space<vmem>>, vector<16x2048xf32>
    tpu.vector_store %arg12[%swap3A, %swap3A_106], %transpose3A {strides = array<i32>} : memref<16x2048xf32, #tpu.memory_space<vmem>>, vector<16x2048xf32>,
    %broadcast_in_dim3A_108 = arith.constant 0.000000e+00 : f32
    %broadcast_in_dim3A_109 = vector.broadcast %broadcast_in_dim3A_108 : f32 to vector<2048x10xf32>
    %slice3A_110 = vector.extract_strided_slice %add3A_37 {offsets = [0, 0], sizes = [2048, 3], strides = [1, 1]} : vector<2048x8xf32> to vector<2048x3xf32>
    %concatenate3A_111 = tpu.concatenate %slice3A_110, %convert_element_type3A, %add3A_66, %broadcast_in_dim3A_109 in 1 : vector<2048x3xf32>, vector<2048x1xf32>, vector<2048x2xf32>, vector<2048x10xf32> -> vector<2048x16xf32>
    %swap3A_112 = arith.constant 0 : index
    %swap3A_113 = arith.constant 0 : index
    %swap3A_114 = vector.load %arg13[%swap3A_112, %swap3A_113] : memref<2048x16xf32, #tpu.memory_space<vmem>>, vector<2048x16xf32>
    tpu.vector_store %arg13[%swap3A_112, %swap3A_113], %concatenate3A_111 {strides = array<i32>} : memref<2048x16xf32, #tpu.memory_space<vmem>>, vector<2048x16xf32>,
    return
  }
  func.func @transform_0(%arg0: i32) -> (i32, i32) {
    %c0_i32 = arith.constant 0 : i32
    %c0_i32_0 = arith.constant 0 : i32
    return %arg0, %c0_i32 : i32, i32
  }
  func.func @transform_1(%arg0: i32) -> (i32, i32) {
    %c0_i32 = arith.constant 0 : i32
    %c0_i32_0 = arith.constant 0 : i32
    return %arg0, %c0_i32 : i32, i32
  }
  func.func @transform_2(%arg0: i32) -> (i32, i32) {
    %c0_i32 = arith.constant 0 : i32
    %c0_i32_0 = arith.constant 0 : i32
    %c0_i32_1 = arith.constant 0 : i32
    return %c0_i32, %c0_i32_0 : i32, i32
  }
  func.func @transform_3(%arg0: i32) -> (i32, i32) {
    %c0_i32 = arith.constant 0 : i32
    %c0_i32_0 = arith.constant 0 : i32
    %c0_i32_1 = arith.constant 0 : i32
    return %c0_i32, %c0_i32_0 : i32, i32
  }
  func.func @transform_4(%arg0: i32) -> (i32, i32) {
    %c0_i32 = arith.constant 0 : i32
    %c0_i32_0 = arith.constant 0 : i32
    %c0_i32_1 = arith.constant 0 : i32
    return %c0_i32, %c0_i32_0 : i32, i32
  }
  func.func @transform_5(%arg0: i32) -> (i32, i32) {
    %c0_i32 = arith.constant 0 : i32
    %c0_i32_0 = arith.constant 0 : i32
    %c0_i32_1 = arith.constant 0 : i32
    return %c0_i32, %c0_i32_0 : i32, i32
  }
  func.func @transform_6(%arg0: i32) -> (i32, i32) {
    %c0_i32 = arith.constant 0 : i32
    %c0_i32_0 = arith.constant 0 : i32
    %c0_i32_1 = arith.constant 0 : i32
    return %c0_i32, %c0_i32_0 : i32, i32
  }
  func.func @transform_7(%arg0: i32) -> (i32, i32) {
    %c0_i32 = arith.constant 0 : i32
    %c0_i32_0 = arith.constant 0 : i32
    %c0_i32_1 = arith.constant 0 : i32
    return %c0_i32, %c0_i32_0 : i32, i32
  }
  func.func @transform_8(%arg0: i32) -> (i32, i32) {
    %c0_i32 = arith.constant 0 : i32
    %c0_i32_0 = arith.constant 0 : i32
    %c0_i32_1 = arith.constant 0 : i32
    return %c0_i32, %c0_i32_0 : i32, i32
  }
  func.func @transform_9(%arg0: i32) -> (i32, i32) {
    %c0_i32 = arith.constant 0 : i32
    %c0_i32_0 = arith.constant 0 : i32
    %c0_i32_1 = arith.constant 0 : i32
    return %c0_i32, %c0_i32_0 : i32, i32
  }
  func.func @transform_10(%arg0: i32) -> (i32, i32) {
    %c0_i32 = arith.constant 0 : i32
    %c0_i32_0 = arith.constant 0 : i32
    %c0_i32_1 = arith.constant 0 : i32
    return %c0_i32, %c0_i32_0 : i32, i32
  }
  func.func @transform_11(%arg0: i32) -> (i32, i32) {
    %c0_i32 = arith.constant 0 : i32
    %c0_i32_0 = arith.constant 0 : i32
    return %c0_i32, %arg0 : i32, i32
  }
  func.func @transform_12(%arg0: i32) -> (i32, i32) {
    %c0_i32 = arith.constant 0 : i32
    %c0_i32_0 = arith.constant 0 : i32
    return %arg0, %c0_i32 : i32, i32
  }
}

</mosaic_0001>

<sc_bundles>
// kernel: kernel.4.cloned.1.call-start
scs
__scs_entry_jumppad:
0x0: {  	(pc) =	sbr.rel $0x88, $3  }
0x1: {  	(tag) =	ssettag $0x0;
	lr =	simm.s32 $0x1  }
0x2: {  	[smem:$0x3F91] =	sst lr;
	_ =	strace $0xD0000000  }
0x3: {  	_ = 	snop  }
0x4: {  	_ = 	snop  }
0x5: {  	_ = 	snop  }
0x6: {  	_ = 	snop  }
0x7: {  	_ = 	snop  }
__scs_overlays_trampoline_lowered:
0x8: {  	[smem:$0x3FA0] =	sst s0  }
0x9: {  	[smem:$0x3FA1] =	sst s1  }
0xa: {  	[smem:$0x3FA2] =	sst s2  }
0xb: {  	[smem:$0x3FA3] =	sst s3  }
0xc: {  	[smem:$0x3FA4] =	sst s4  }
0xd: {  	[smem:$0x3FA5] =	sst s5  }
0xe: {  	[smem:$0x3FA6] =	sst s6  }
0xf: {  	[smem:$0x3FA7] =	sst s7  }
0x10: {  	[smem:$0x3FA8] =	sst s8  }
0x11: {  	[smem:$0x3FA9] =	sst s9;
	s0 =	simm.s32 @!p0 $0x0  }
0x12: {  	s1 =	sld [smem:$0x3F8F];
	s0 =	simm.s32 @p0 $0x1  }
0x13: {  	[smem:$0x3FAA] =	sst s0;
	s0 =	simm.s32 @!p1 $0x0  }
0x14: {  	s2 =	sld [smem:$0x3F8E];
	s0 =	simm.s32 @p1 $0x1  }
0x15: {  	[smem:$0x3FAB] =	sst s0;
	s0 =	simm.s32 @!p2 $0x0  }
0x16: {  	s3 =	sld [smem:$0x3FDB];
	s0 =	simm.s32 @p2 $0x1  }
0x17: {  	s4 =	simm.s32 $0x1BF5;
	[smem:$0x3FAD] =	sst s0  }
0x18: {  	s0 =	sld [smem:$0x3F90];
	_ =	swait.ge [sflag:s4], $0x0  }
0x19: {  	s7 =	sld [smem:$0x3F91]  }
0x1a: {  	s8 =	sadd.s32 $0xFFFFE003, lr  }
0x1b: {  	s9 =	sadd.s32 $0xFFFFFEF7, lr;
	s5 =	simm.s32 $0xFFFFFFFF;
	p2 =	slt.u32 s8, $0xFFFFF086  }
0x1c: {  	p1 =	slt.u32 s9, $0xF7A;
	s5 =	simm.s32 @!p2 $0x0  }
0x1d: {  	s5 =	simm.s32 @p1 $0x1;
	p0 =	seq.s32 s7, s2  }
0x1e: {  	s7 =	smul.u32 @!p0 $0xF7A, s2;
	p2 =	seq.s32 @!p0 s5, $0x0  }
0x1f: {  	s9 =	smul.u32 $0xF7A, s1;
	s8 =	simm.s32 @!p0 $0x1BF5;
	p2 =	por !p2, p0  }
0x20: {  	[sflag:s8] =	ssyncset.s32 @!p0 $0xFFFFF086;
	s6 =	sadd.s32 @!p0 s3, s7;
	s7 =	simm.s32 @!p0 $0x108  }
0x21: {  	s3 =	sadd.s32 s3, s9;
	s6 =	sadd.s32 @!p0 $0x88, s6;
	s7 =	simm.s32 @p2 $0x1082  }
0x22: {  	[simem:s7], [sflag:s8] =	dma.local @!p0 [hbm:s6], $0xF7A  }
0x23: {  	s9 =	sor.u32 $0xD0000000, s2;
	s6 =	simm.s32 $0x108;
	_ =	swait.ge @!p0 [sflag:s8], $0x0  }
0x24: {  	s3 =	sadd.s32 $0x88, s3;
	s6 =	simm.s32 @!p1 $0x1082;
	[sflag:s4] =	ssyncset.s32 $0xFFFFF086  }
0x25: {  	[simem:s6], [sflag:s4] =	dma.local [hbm:s3], $0xF7A  }
0x26: {  	[smem:$0x3F91] =	sst s1;
	(tag) =	ssettag s2;
	_ =	strace s9  }
0x27: {  	s1 =	sld [smem:$0x3FA1]  }
0x28: {  	s2 =	sld [smem:$0x3FA2]  }
0x29: {  	s4 =	sld [smem:$0x3FA4]  }
0x2a: {  	p0 =	seq.s32 s5, $0x0;
	s5 =	sld [smem:$0x3FA5]  }
0x2b: {  	s6 =	sld [smem:$0x3FA6]  }
0x2c: {  	s7 =	sld [smem:$0x3FA7]  }
0x2d: {  	s3 =	simm.s32 $0x108;
	s8 =	sld [smem:$0x3FA8]  }
0x2e: {  	s3 =	simm.s32 @!p0 $0x1082;
	s9 =	sld [smem:$0x3FA9]  }
0x2f: {  	lr =	sadd.s32 s0, s3;
	s0 =	sld [smem:$0x3FA0]  }
0x30: {  	s3 =	sld [smem:$0x3FA3]  }
0x31: {  	[smem:$0x3FAC] =	sst s10  }
0x32: {  	s10 =	sld [smem:$0x3FAA];
	_ =	sdelay $0x3  }
0x33: {  	p0 =	seq.s32 s10, $0x1;
	s10 =	sld [smem:$0x3FAC];
	_ =	sdelay $0x3  }
0x34: {  	[smem:$0x3FAC] =	sst s10  }
0x35: {  	s10 =	sld [smem:$0x3FAB];
	_ =	sdelay $0x3  }
0x36: {  	p1 =	seq.s32 s10, $0x1;
	s10 =	sld [smem:$0x3FAC];
	_ =	sdelay $0x3  }
0x37: {  	[smem:$0x3FAC] =	sst s10  }
0x38: {  	s10 =	sld [smem:$0x3FAD]  }
0x39: {  	_ = 	snop;
	(pc) =	sbr.ind lr, $3  }
0x3a: {  	_ = 	snop  }
0x3b: {  	_ = 	snop  }
0x3c: {  	p2 =	seq.s32 s10, $0x1;
	s10 =	sld [smem:$0x3FAC]  }
0x3d: {  	_ =	shalt  }
0x3e: {  	_ =	shalt  }
0x3f: {  	_ =	shalt  }
0x40: {  	_ =	shalt  }
0x41: {  	_ =	shalt  }
0x42: {  	_ =	shalt  }
0x43: {  	_ =	shalt  }
0x44: {  	_ =	shalt  }
0x45: {  	_ =	shalt  }
0x46: {  	_ =	shalt  }
0x47: {  	_ =	shalt  }
0x48: {  	_ =	shalt  }
0x49: {  	_ =	shalt  }
0x4a: {  	_ =	shalt  }
0x4b: {  	_ =	shalt  }
0x4c: {  	_ =	shalt  }
0x4d: {  	_ =	shalt  }
0x4e: {  	_ =	shalt  }
0x4f: {  	_ =	shalt  }
0x50: {  	_ =	shalt  }
0x51: {  	_ =	shalt  }
0x52: {  	_ =	shalt  }
0x53: {  	_ =	shalt  }
0x54: {  	_ =	shalt  }
0x55: {  	_ =	shalt  }
0x56: {  	_ =	shalt  }
0x57: {  	_ =	shalt  }
0x58: {  	_ =	shalt  }
0x59: {  	_ =	shalt  }
0x5a: {  	_ =	shalt  }
0x5b: {  	_ =	shalt  }
0x5c: {  	_ =	shalt  }
0x5d: {  	_ =	shalt  }
0x5e: {  	_ =	shalt  }
0x5f: {  	_ =	shalt  }
0x60: {  	_ =	shalt  }
0x61: {  	_ =	shalt  }
0x62: {  	_ =	shalt  }
0x63: {  	_ =	shalt  }
0x64: {  	_ =	shalt  }
0x65: {  	_ =	shalt  }
0x66: {  	_ =	shalt  }
0x67: {  	_ =	shalt  }
0x68: {  	_ =	shalt  }
0x69: {  	_ =	shalt  }
0x6a: {  	_ =	shalt  }
0x6b: {  	_ =	shalt  }
0x6c: {  	_ =	shalt  }
0x6d: {  	_ =	shalt  }
0x6e: {  	_ =	shalt  }
0x6f: {  	_ =	shalt  }
0x70: {  	_ =	shalt  }
0x71: {  	_ =	shalt  }
0x72: {  	_ =	shalt  }
0x73: {  	_ =	shalt  }
0x74: {  	_ =	shalt  }
0x75: {  	_ =	shalt  }
0x76: {  	_ =	shalt  }
0x77: {  	_ =	shalt  }
0x78: {  	_ =	shalt  }
0x79: {  	_ =	shalt  }
0x7a: {  	_ =	shalt  }
0x7b: {  	_ =	shalt  }
0x7c: {  	_ =	shalt  }
0x7d: {  	_ =	shalt  }
0x7e: {  	_ =	shalt  }
0x7f: {  	_ =	shalt  }
0x80: {  	_ =	shalt  }
0x81: {  	_ =	shalt  }
0x82: {  	_ =	shalt  }
0x83: {  	_ =	shalt  }
0x84: {  	_ =	shalt  }
0x85: {  	_ =	shalt  }
0x86: {  	_ =	shalt  }
0x87: {  	_ =	shalt  }
.Lfunc_end0:
.L_simem_size_0:
called_computation_lowered:
.L_overlay_start_0:
0x88: {  	s2 =	sld [smem:$0x3FD9]  }
0x89: {  	s3 =	sld [smem:$0x3FFE];
	_ =	sdelay $0x1  }
0x8a: {  	s1 =	srdreg.scid  }
0x8b: {  	s0 =	sand.u32 $0x1, s1  }
0x8c: {  	s14 =	sshll.u32 s0, $0xA;
	s2 =	sadd.s32 s3, s2  }
0x8d: {  	s2 =	sadd.s32 s2, s14  }
0x8e: {  	[smem:$0x3FB8] =	sst s2  }
0x8f: {  	_ = 	snop  }
0x90: {  	s2 =	sld [smem:$0x3FD0];
	_ =	sdelay $0x2  }
0x91: {  	s4 =	simm.s32 $0xA;
	s5 =	simm.s32 $0x10;
	s15 =	sld [smem:$0x3FC9]  }
0x92: {  	[smem:s5], [sflag:s4] =	dma.local [hbm:s2], $0x1  }
0x93: {  	_ =	swait.eq [sflag:s4], $0x1  }
0x94: {  	[sflag:s4] =	ssyncset.done $0x0  }
0x95: {  	s16 =	sld [smem:$0x11];
	[sflag:s4] =	ssyncadd.s32 $0xFFFFFFFF  }
0x96: {  	s17 =	sld [smem:$0x12];
	(tm) =	ssettm $0x1  }
0x97: {  	s18 =	sld [smem:$0x3FFB];
	_ =	sdelay $0x3  }
0x98: {  	_ =	strace s18  }
0x99: {  	s5 =	sld [smem:$0x3FFC];
	_ =	sdelay $0x3  }
0x9a: {  	_ =	strace s5  }
0x9b: {  	s5 =	sld [smem:$0x3FFD];
	_ =	sdelay $0x3  }
0x9c: {  	_ =	strace s5  }
0x9d: {  	_ =	strace $0x8FFFFFFF  }
0x9e: {  	s19 =	sld [smem:$0x3FDB];
	_ =	sdelay $0x1  }
0x9f: {  	s6 =	simm.s32 $_scs_section_size  }
0xa0: {  	s7 =	simm.s32 $_size__tile_overlayer_lowered;
	s8 =	simm.s32 $_tile_overlayer_lowered  }
0xa1: {  	s22 =	simm.s32 $0x1BFF;
	s21 =	sshll.u32 s8, $0x1;
	s5 =	sadd.s32 s6, s19  }
0xa2: {  	s9 =	simm.s32 $0x0;
	s20 =	sshll.u32 s7, $0x1;
	s7 =	sadd.s32 s21, s5  }
0xa3: {  	[timem:s9], [sflag:s22] =	dma.local [hbm:s7], s20  }
0xa4: {  	_ =	swait.ge [sflag:s22], s20  }
0xa5: {  	s6 =	ssub.s32 $0x0, s20;
	[sflag:s22] =	ssyncset.done $0x0  }
0xa6: {  	[sflag:s22] =	ssyncadd.s32 s6;
	_ =	sdelay $0x1  }
0xa7: {  	s23 =	simm.s32 $0x1B8B  }
0xa8: {  	_ =	swait.ge [sflag:s23], $0x1  }
0xa9: {  	[sflag:s23] =	ssyncset.done $0x0  }
0xaa: {  	s25 =	simm.s32 $0x1B8E;
	s24 =	sld [smem:$0x3FFE];
	[sflag:s23] =	ssyncadd.s32 $0xFFFFFFFF  }
0xab: {  	s26 =	simm.s32 $execute0_lowered;
	[smem:$0x3FD2] =	sst s25  }
0xac: {  	s7 =	sshll.u32 s26, $0x1;
	_ =	strace $0x80000046;
	[dreg:$0x1] =	wrdreg $0xFFFFFFFF  }
0xad: {  	s28 =	simm.s32 $_size_execute0_lowered;
	s5 =	sadd.s32 s5, s7;
	[dreg:$0x0] =	wrdreg $0x0  }
0xae: {  	s7 =	sshll.u32 s28, $0x1;
	[dreg:$0x2] =	wrdreg s5  }
0xaf: {  	[dreg:$0x3] =	wrdreg s7  }
0xb0: {  	[dreg:$0x4] =	wrdreg $0xC0  }
0xb1: {  	_ =	task [dreg:s9], $0x5FFFF  }
0xb2: {  	[dreg:$0x1] =	wrdreg $0xFFFFFFFF  }
0xb3: {  	[dreg:$0x0] =	wrdreg $0x60  }
0xb4: {  	[dreg:$0x2] =	wrdreg s15  }
0xb5: {  	[dreg:$0x3] =	wrdreg s24  }
0xb6: {  	[dreg:$0x4] =	wrdreg s17  }
0xb7: {  	[dreg:$0x5] =	wrdreg s16  }
0xb8: {  	[dreg:$0x6] =	wrdreg $0x9  }
0xb9: {  	_ =	task.clear_ibuf [dreg:s9], $0x7FFFF;
	_ =	strace $0x90000046  }
0xba: {  	s29 =	simm.s32 $0x9;
	_ =	strace $0x80000048  }
0xbb: {  	_ =	swait.ge [sflag:s29], $0x1  }
0xbc: {  	[sflag:s29] =	ssyncadd.s32 $0xFFFFFFFF  }
0xbd: {  	_ =	strace $0x90000048  }
0xbe: {  	_ =	sfence  }
0xbf: {  	s30 =	sld [smem:$0x0];
	_ =	sdelay $0x2  }
0xc0: {  	s31 =	sshll.u32 s1, $0xD;
	s1 =	sshrl.u32 s1, $0x2  }
0xc1: {  	s3 =	sand.u32 $0x4000, s31;
	s1 =	sadd.s32 s1, s30  }
0xc2: {  	s0 =	sor.u32 s3, s0;
	s1 =	sshll.u32 s1, $0x11  }
0xc3: {  	s0 =	sor.u32 s1, s0  }
0xc4: {  	s0 =	sadd.s32 $0x8F2B, s0  }
0xc5: {  	[sflag:s0] =	ssyncadd.remote.s32 $0x1  }
0xc6: {  	_ =	sfence.sel $0xFFFF  }
0xc7: {  	[dreg:$0x0] =	wrdreg $0xFFFFFFFF;
	(pc) =	sbr.abs _section_cstart, $3  }
0xc8: {  	[dreg:$0x1] =	wrdreg $0xFFFFFFFF  }
0xc9: {  	_ =	task.clear_ibuf [dreg:s9], $0x2FFFF;
	_ =	strace $0x9FFFFFFF  }
0xca: {  	(tm) =	ssettm $0x7FFFFFFF  }
0xcb: {  	_ =	shalt  }
tec
execute0_lowered:
.L_overlay_start_1:
0x0: {  	(tag) =	ssettag $0x1  }
0x1: {  	s1 =	rddreg [dreg:$0x0]  }
0x2: {  	s11 =	rddreg [dreg:$0x1]  }
0x3: {  	s2 =	srdreg.scid;
	s0 =	stileid.u32  }
0x4: {  	s4 =	rddreg [dreg:$0x2];
	s12 =	sand.u32 $0x1, s2;
	s29 =	sshll.u32 s0, $0x1  }
0x5: {  	s13 =	rddreg [dreg:$0x3];
	s14 =	sor.u32 s12, s29  }
0x6: {  	s3 =	simm.s32 $0x0;
	s2 =	rddreg [dreg:$0x4];
	s5 =	smul.u32 $0x60, s14  }
0x7: {  	[smem:$0x7FF] =	sst s3  }
0x8: {  	_ =	strace $0x80000047;
	s5 =	sadd.s32 s4, s5;
	s4 =	simm.s32 $0x3  }
0x9: {  	[tilespmem:s3], [sflag:$0x3] =	stream.linear.gather [hbm4b:s5+s3], $0x300, $0x38;
	[tilespmem:$0x1B300] =	vst v63  }
0xa: {  	_ =	swait.ge [sflag:s4], $0x300  }
0xb: {  	[sflag:s4] =	ssyncset.done $0x0  }
0xc: {  	s6 =	simm.s32 $0x300;
	[sflag:s4] =	ssyncadd.s32 $0xFFFFFD00  }
0xd: {  	[tilespmem:s6], [sflag:$0x1] =	stream.indirect.gather [hbm4b:s1+s6], $0x80, s3, s6, $0xb8;
	[tilespmem:$0x1B300] =	vst v63  }
0xe: {  	s8 =	simm.s32 $0x18300;
	s9 =	simm.s32 $0x1;
	s7 =	sadd.s32 $0x400000, s11  }
0xf: {  	[tilespmem:s8], [sflag:$0x2] =	stream.indirect.gather [hbm4b:s7+s6], $0x10, s3, s6, $0xb8;
	[tilespmem:$0x1B300] =	vst v63  }
0x10: {  	_ =	swait.ge [sflag:s9], $0x18000  }
0x11: {  	s10 =	simm.s32 $0x2;
	[sflag:s9] =	ssyncset.done $0x0  }
0x12: {  	s12 =	ssub.s32 $0x2, s12;
	s15 =	smul.u32 $0x3000, s14;
	[sflag:s9] =	ssyncadd.s32 $0xFFFE8000  }
0x13: {  	s30 =	sshrl.u32 s12, $0x1;
	_ =	swait.ge [sflag:s10], $0x3000  }
0x14: {  	s11 =	sadd.s32 s11, s15;
	s15 =	ssub.s32 s12, s30;
	[sflag:s10] =	ssyncset.done $0x0  }
0x15: {  	s31 =	smax.u32 s15, $0x1;
	[sflag:s10] =	ssyncadd.s32 $0xFFFFD000  }
0x16: {  	[hbm4b:s11+s3] =	stream.linear.scatter [tilespmem:s6], [sflag:$0x3], $0x18000, $0x38;
	[tilespmem:$0x1B300] =	vst v63  }
0x17: {  	s14 =	smul.u32 $0x600, s14;
	p0 =	sne.s32 s31, $0x1;
	_ =	swait.ge [sflag:s4], $0x18000  }
.Ltmp0:
0x18: {  	[sflag:s4] =	ssyncset.done $0x0;
	(pc) =	sbr.rel @!p0 .LBB2_2-.Ltmp0, $4  }
0x19: {  	s12 =	sadd.s32 s13, s14;
	[sflag:s4] =	ssyncadd.s32 $0xFFFE8000  }
0x1a: {  	[hbm4b:s12+s3] =	stream.linear.scatter [tilespmem:s8], [sflag:$0x3], $0x3000, $0x38;
	[tilespmem:$0x1B300] =	vst v63  }
0x1b: {  	_ =	swait.ge [sflag:s4], $0x3000  }
0x1c: {  	s13 =	sadd.s32 $0xFFFFFFFF, s31;
	[sflag:s4] =	ssyncset.done $0x0  }
.LBB2_1:
0x1d: {  	p0 =	sne.s32 s13, $0x1;
	s13 =	sadd.s32 $0xFFFFFFFF, s13;
	[sflag:s4] =	ssyncadd.s32 $0xFFFFD000  }
0x1e: {  	[tilespmem:s3], [sflag:$0x3] =	stream.linear.gather [hbm4b:s5+s3], $0x300, $0x38;
	[tilespmem:$0x1B300] =	vst v63  }
0x1f: {  	_ =	swait.ge [sflag:s4], $0x300  }
0x20: {  	[sflag:s4] =	ssyncset.done $0x0  }
0x21: {  	[sflag:s4] =	ssyncadd.s32 $0xFFFFFD00  }
0x22: {  	[tilespmem:s6], [sflag:$0x1] =	stream.indirect.gather [hbm4b:s1+s6], $0x80, s3, s6, $0xb8;
	[tilespmem:$0x1B300] =	vst v63  }
0x23: {  	_ = 	snop  }
0x24: {  	[tilespmem:s8], [sflag:$0x2] =	stream.indirect.gather [hbm4b:s7+s6], $0x10, s3, s6, $0xb8;
	[tilespmem:$0x1B300] =	vst v63  }
0x25: {  	_ =	swait.ge [sflag:s9], $0x18000  }
0x26: {  	[sflag:s9] =	ssyncset.done $0x0  }
0x27: {  	[sflag:s9] =	ssyncadd.s32 $0xFFFE8000  }
0x28: {  	_ =	swait.ge [sflag:s10], $0x3000  }
0x29: {  	[sflag:s10] =	ssyncset.done $0x0  }
0x2a: {  	[sflag:s10] =	ssyncadd.s32 $0xFFFFD000  }
0x2b: {  	[hbm4b:s11+s3] =	stream.linear.scatter [tilespmem:s6], [sflag:$0x3], $0x18000, $0x38;
	[tilespmem:$0x1B300] =	vst v63  }
0x2c: {  	_ =	swait.ge [sflag:s4], $0x18000  }
.Ltmp1:
0x2d: {  	[sflag:s4] =	ssyncset.done $0x0;
	(pc) =	sbr.rel @p0 .LBB2_1-.Ltmp1, $4  }
0x2e: {  	[sflag:s4] =	ssyncadd.s32 $0xFFFE8000  }
0x2f: {  	[hbm4b:s12+s3] =	stream.linear.scatter [tilespmem:s8], [sflag:$0x3], $0x3000, $0x38;
	[tilespmem:$0x1B300] =	vst v63  }
0x30: {  	_ =	swait.ge [sflag:s4], $0x3000  }
0x31: {  	[sflag:s4] =	ssyncset.done $0x0  }
.LBB2_2:
0x32: {  	[sflag:s4] =	ssyncadd.s32 $0xFFFFD000  }
0x33: {  	_ =	sfence.sel $0x180000  }
0x34: {  	[bflag:$0x0] =	sbarrier.arrive $0xFFFF  }
0x35: {  	p0 =	sne.s32 s0, $0x0;
	_ =	strace $0x90000047  }
0x36: {  	s0 =	sadd.s32 @!p0 $0x100000, s2;
	[bflag:$0x2] =	sbarrier.arrive $0xFFFF  }
0x37: {  	[sflag:s0] =	ssyncadd.tile.s32 @!p0 $0x1;
	_ =	shalt  }
.Lfunc_end2:
_tile_overlayer_lowered:
.L_overlay_start_2:
0x38: {  	(tag) =	ssettag $0x2  }
0x39: {  	s0 =	rddreg [dreg:$0x0];
	s2 =	stileid.u32  }
0x3a: {  	s1 =	rddreg [dreg:$0x1];
	p0 =	sne.s32 s2, $0x0  }
0x3b: {  	s3 =	rddreg [dreg:$0x2];
	[bflag:$0x3] =	sbarrier.arrive $0xFFFF;
	s2 =	simm.s32 @!p0 $0x1C03  }
0x3c: {  	[timem:s3], [sflag:s2] =	dma.local @!p0 [hbm:s0], s1  }
0x3d: {  	s0 =	simm.s32 @!p0 $0x3  }
0x3e: {  	_ =	swait.ge @!p0 [sflag:s0], s1  }
0x3f: {  	s1 =	ssub.s32 @!p0 $0x0, s1;
	[sflag:s0] =	ssyncset.done @!p0 $0x0  }
0x40: {  	[sflag:s0] =	ssyncadd.s32 @!p0 s1  }
0x41: {  	[bflag:$0x3] =	sbarrier.arrive $0xFFFF  }
0x42: {  	_ =	shalt  }

</sc_bundles>
